<compile_context>
chip_gen: v7x
topology: tpu7x:2x2x1
jax: 0.10.2.dev20260603
libtpu: 0.0.44.dev20260713+nightly
codegen_flags: <defaults>
</compile_context>

<pallas_src>
import functools

import jax
import jax.numpy as jnp
from jax import lax
from jax.experimental import pallas as pl
from jax.experimental.pallas import tpu as pltpu
from jax.experimental.pallas import tpu_sc as plsc

_B, _N, _H, _W = 2, 100, 512, 512
_HW = _H * _W
_NPAD = 128
_INSTANCE_OFFSET = 1000
_NUM_THINGS = 80
_NUM_CLASSES = 133
_STUFF_AREA_THR = 4096
_THING_CONF_THR = 0.5

_LANES = 16
_NTILES = 16
_CHUNK = _HW // _NTILES
_NBINS = 144


def _sort_kernel(srow_ref, scol_ref, ccol_ref, sok_ref, scls_ref, inds_ref):
    sj = scol_ref[0]
    sk = srow_ref[0]
    row = lax.broadcasted_iota(jnp.int32, (_NPAD, _NPAD), 0)
    col = lax.broadcasted_iota(jnp.int32, (_NPAD, _NPAD), 1)
    before = (sk > sj) | ((sk == sj) & (col < row))
    rank_col = jnp.sum(before.astype(jnp.int32), axis=1, keepdims=True)
    sel = (rank_col == col).astype(jnp.int32)
    okj = (sj >= _THING_CONF_THR).astype(jnp.int32)
    sok_ref[0] = jnp.sum(sel * okj, axis=0, keepdims=True)
    scls_ref[0] = jnp.sum(sel * ccol_ref[0], axis=0, keepdims=True)
    num_ok = jnp.sum(okj)
    clamp = jnp.minimum(col, num_ok - 1)
    inds_ref[0] = jnp.sum((rank_col == clamp).astype(jnp.int32) * row,
                          axis=0, keepdims=True)


def _fuse_kernel(si_ref, sok_ref, scls_ref, mask_ref, out_ref, cnt_ref):
    b = pl.program_id(0)
    i = pl.program_id(1)

    @pl.when(i == 0)
    def _init():
        out_ref[...] = jnp.zeros_like(out_ref)
        cnt_ref[0] = 1

    @pl.when(sok_ref[b, i] > 0)
    def _active():
        m = mask_ref[0, 0] != 0
        pan = out_ref[0]
        mi = m.astype(jnp.int32)
        area = jnp.sum(mi)
        inter = jnp.sum(jnp.where(pan != 0, mi, 0))
        ok = (area > 0) & (2 * inter <= area)

        @pl.when(ok)
        def _write():
            newval = scls_ref[b, i] + cnt_ref[0] * _INSTANCE_OFFSET
            pan2 = out_ref[0]
            write = (mask_ref[0, 0] != 0) & (pan2 == 0)
            out_ref[0] = jnp.where(write, newval, pan2)
            cnt_ref[0] = cnt_ref[0] + 1


def _sc_stuff_kernel(pan_hbm, sem_hbm, out_hbm, pan_v, sem_v, bin_v,
                     ones_v, hist_v, gat_v, tmp_v, acc_v, lutc_v,
                     shared_all, shared_lut):
    b = lax.axis_index("c")
    s = lax.axis_index("s")
    base = b * _HW + s * _CHUNK
    pltpu.sync_copy(pan_hbm.at[pl.ds(base, _CHUNK)], pan_v)
    pltpu.sync_copy(sem_hbm.at[pl.ds(base, _CHUNK)], sem_v)

    zeros = jnp.zeros((_LANES,), jnp.int32)
    onesv = jnp.full((_LANES,), 1, jnp.int32)

    def prep_body(k, c):
        off = k * _LANES
        semv = sem_v[pl.ds(off, _LANES)]
        panv = pan_v[pl.ds(off, _LANES)]
        bin_v[pl.ds(off, _LANES)] = (
            jnp.minimum(semv + panv, _NBINS - 1) + s * _NBINS)
        ones_v[pl.ds(off, _LANES)] = onesv
        return c

    lax.fori_loop(0, _CHUNK // _LANES, prep_body, 0)

    def zero_body(k, c):
        hist_v[pl.ds(k * _LANES, _LANES)] = zeros
        return c

    lax.fori_loop(0, _NBINS // _LANES, zero_body, 0)

    pltpu.sync_copy(hist_v, shared_all.at[pl.ds(s * _NBINS, _NBINS)])
    pltpu.sync_copy(ones_v, shared_all.at[bin_v], add=True)
    plsc.subcore_barrier()

    @pl.when(s < _NBINS // _LANES)
    def _build_lut():
        acc_v[...] = zeros

        def merge_body(t2, c):
            pltpu.sync_copy(
                shared_all.at[pl.ds(t2 * _NBINS + s * _LANES, _LANES)],
                tmp_v)
            acc_v[...] = acc_v[...] + tmp_v[...]
            return c

        lax.fori_loop(0, _NTILES, merge_body, 0)
        lutc_v[...] = jnp.minimum(
            jnp.maximum(acc_v[...] - (_STUFF_AREA_THR - 1), 0), 1)
        pltpu.sync_copy(lutc_v, shared_lut.at[pl.ds(s * _LANES, _LANES)])

    plsc.subcore_barrier()

    pltpu.sync_copy(shared_lut.at[sem_v], gat_v)

    def apply_body(k, c):
        off = k * _LANES
        semv = sem_v[pl.ds(off, _LANES)]
        panv = pan_v[pl.ds(off, _LANES)]
        g = gat_v[pl.ds(off, _LANES)]
        unclaimed = 1 - jnp.minimum(panv, 1)
        pan_v[pl.ds(off, _LANES)] = (
            panv + unclaimed * g * (semv + _NUM_THINGS))
        return c

    lax.fori_loop(0, _CHUNK // _LANES, apply_body, 0)

    pltpu.sync_copy(pan_v, out_hbm.at[pl.ds(base, _CHUNK)])


@jax.jit
def _run(ins_masks, scores, cls_i32, sem_i32):
    neg_inf = jnp.float32(-jnp.inf)
    spad = jnp.pad(scores, ((0, 0), (0, _NPAD - _N)), constant_values=neg_inf)
    cpad = jnp.pad(cls_i32, ((0, 0), (0, _NPAD - _N)))
    srow = spad.reshape(_B, 1, _NPAD)
    scol = spad.reshape(_B, _NPAD, 1)
    ccol = cpad.reshape(_B, _NPAD, 1)

    sok, scls, inds = pl.pallas_call(
        _sort_kernel,
        grid=(_B,),
        in_specs=[
            pl.BlockSpec((1, 1, _NPAD), lambda b: (b, 0, 0)),
            pl.BlockSpec((1, _NPAD, 1), lambda b: (b, 0, 0)),
            pl.BlockSpec((1, _NPAD, 1), lambda b: (b, 0, 0)),
        ],
        out_specs=[
            pl.BlockSpec((1, 1, _NPAD), lambda b: (b, 0, 0)),
            pl.BlockSpec((1, 1, _NPAD), lambda b: (b, 0, 0)),
            pl.BlockSpec((1, 1, _NPAD), lambda b: (b, 0, 0)),
        ],
        out_shape=[
            jax.ShapeDtypeStruct((_B, 1, _NPAD), jnp.int32),
            jax.ShapeDtypeStruct((_B, 1, _NPAD), jnp.int32),
            jax.ShapeDtypeStruct((_B, 1, _NPAD), jnp.int32),
        ],
    )(srow, scol, ccol)

    si = inds.reshape(_B, _NPAD)[:, :_N]
    sokv = sok.reshape(_B, _NPAD)[:, :_N]
    sclsv = scls.reshape(_B, _NPAD)[:, :_N]

    grid_spec = pltpu.PrefetchScalarGridSpec(
        num_scalar_prefetch=3,
        grid=(_B, _N),
        in_specs=[
            pl.BlockSpec((1, 1, _H, _W), lambda b, i, si, so, sc: (b, si[b, i], 0, 0)),
        ],
        out_specs=pl.BlockSpec((1, _H, _W), lambda b, i, si, so, sc: (b, 0, 0)),
        scratch_shapes=[pltpu.SMEM((1,), jnp.int32)],
    )
    pan = pl.pallas_call(
        _fuse_kernel,
        grid_spec=grid_spec,
        out_shape=jax.ShapeDtypeStruct((_B, _H, _W), jnp.int32),
        compiler_params=pltpu.CompilerParams(
            dimension_semantics=("parallel", "arbitrary")
        ),
    )(si, sokv, sclsv, ins_masks)

    mesh = plsc.VectorSubcoreMesh(core_axis_name="c", subcore_axis_name="s")
    stuff = functools.partial(
        pl.kernel,
        mesh=mesh,
        out_type=jax.ShapeDtypeStruct((_B * _HW,), jnp.int32),
        scratch_types=[
            pltpu.VMEM((_CHUNK,), jnp.int32),
            pltpu.VMEM((_CHUNK,), jnp.int32),
            pltpu.VMEM((_CHUNK,), jnp.int32),
            pltpu.VMEM((_CHUNK,), jnp.int32),
            pltpu.VMEM((_NBINS,), jnp.int32),
            pltpu.VMEM((_CHUNK,), jnp.int32),
            pltpu.VMEM((_LANES,), jnp.int32),
            pltpu.VMEM((_LANES,), jnp.int32),
            pltpu.VMEM((_LANES,), jnp.int32),
            pltpu.VMEM_SHARED((_NTILES * _NBINS,), jnp.int32),
            pltpu.VMEM_SHARED((_NBINS,), jnp.int32),
        ],
    )(_sc_stuff_kernel)
    out = stuff(pan.reshape(_B * _HW), sem_i32.reshape(_B * _HW))
    return out.reshape(_B, _H, _W)


def kernel(ins_masks, ins_scores, ins_class_ids, sem_masks):
    return _run(
        ins_masks,
        ins_scores.astype(jnp.float32),
        ins_class_ids.astype(jnp.int32),
        sem_masks.astype(jnp.int32),
    )

# --- scband reference (transcript-rebuilt; emitter-appended) ---
"""Pipeline reference for scband-simple-panoptic-fusion-head-12506944766353 (READ-ONLY COPY).

The authoritative reference and input builder live on the scoring server;
editing this copy changes nothing except your own understanding.
"""

import jax, jax.numpy as jnp
import numpy as np

INSTANCE_OFFSET = 1000
NUM_THINGS = 80
NUM_STUFF = 53
IGNORE_CLASS = NUM_THINGS + NUM_STUFF  # 133
OVERLAP_THR = 0.5
STUFF_AREA_THR = 4096
THING_CONF_THR = 0.5

B, N, H, W = 2, 100, 512, 512


def setup_inputs(seed: int = 0) -> dict:
    key = jax.random.key(seed)
    k1, k2, k3, k4 = jax.random.split(key, 4)
    ins_masks = jax.random.randint(k1, (B, N, H, W), 0, 2).astype(jnp.bool_)
    ins_scores = jax.random.uniform(k2, (B, N), dtype=jnp.float32)
    ins_class_ids = jax.random.randint(k3, (B, N), 0, NUM_THINGS).astype(jnp.int64)
    sem_masks = jax.random.randint(k4, (B, H, W), 0, IGNORE_CLASS).astype(jnp.int64)
    return {"ins_masks": ins_masks, "ins_scores": ins_scores, "ins_class_ids": ins_class_ids, "sem_masks": sem_masks}


def _combine_segms(ins_mask, ins_score, ins_class_id, sem_mask):
    # Faithful port of SimplePanopticFusionHead._combine_segms as a fixed-shape,
    # traceable computation (sequential fusion via lax.fori_loop).
    ins_mask = ins_mask.astype(jnp.bool_)
    pan_segm = jnp.zeros(ins_mask.shape[1:], dtype=jnp.int32)
    sorted_inds = jnp.argsort(-ins_score, stable=True)

    def fuse_body(i, carry):
        pan_segm, ins_id = carry
        inst_id = sorted_inds[i]
        mask = ins_mask[inst_id]
        score = ins_score[inst_id]
        cls_id = ins_class_id[inst_id].astype(jnp.int32)
        mask_area = mask.sum().astype(jnp.int32)
        intersect = jnp.logical_and(mask, pan_segm != 0)
        intersect_area = intersect.sum().astype(jnp.int32)
        overlap_too_big = intersect_area > OVERLAP_THR * mask_area
        do_write = jnp.logical_and(
            jnp.logical_and(score >= THING_CONF_THR, mask_area > 0),
            jnp.logical_not(overlap_too_big),
        )
        eff_mask = jnp.where(
            intersect_area > 0, jnp.logical_and(mask, pan_segm == 0), mask
        )
        new_val = cls_id + ins_id * INSTANCE_OFFSET
        pan_segm = jnp.where(jnp.logical_and(do_write, eff_mask), new_val, pan_segm)
        ins_id = ins_id + do_write.astype(jnp.int32)
        return pan_segm, ins_id

    pan_segm, _ = jax.lax.fori_loop(
        0, ins_mask.shape[0], fuse_body, (pan_segm, jnp.int32(1))
    )

    sem_mask = jnp.where(pan_segm > 0, IGNORE_CLASS, sem_mask)

    def stuff_body(sem_cls, pan_segm):
        sel = sem_mask == sem_cls
        sem_cnt = sel.sum()
        apply_cls = sem_cnt >= STUFF_AREA_THR
        return jnp.where(
            jnp.logical_and(apply_cls, sel),
            (sem_cls + NUM_THINGS).astype(jnp.int32),
            pan_segm,
        )

    pan_segm = jax.lax.fori_loop(0, IGNORE_CLASS, stuff_body, pan_segm)
    return pan_segm


def reference(ins_masks, ins_scores, ins_class_ids, sem_masks):
    pan_segms = []
    for i in range(len(ins_masks)):
        pan_segms.append(_combine_segms(ins_masks[i], ins_scores[i], ins_class_ids[i], sem_masks[i]))
    return jnp.stack(pan_segms)

if __name__ == "__main__":
    import jax
    _d = setup_inputs()
    print(jax.jit(kernel)(*tuple(_d.values())))

</pallas_src>

<mosaic_0001>
#map = affine_map<(d0, d1) -> (0)>
module attributes {stable_mosaic.version = 14 : i64} {
  func.func @_sc_stuff_kernel(%arg0: i32, %arg1: i32, %arg2: memref<524288xi32, #tpu.memory_space<hbm>>, %arg3: memref<524288xi32, #tpu.memory_space<hbm>>, %arg4: memref<524288xi32, #tpu.memory_space<hbm>>, %arg5: memref<16384xi32, #tpu.memory_space<vmem>>, %arg6: memref<16384xi32, #tpu.memory_space<vmem>>, %arg7: memref<16384xi32, #tpu.memory_space<vmem>>, %arg8: memref<16384xi32, #tpu.memory_space<vmem>>, %arg9: memref<144xi32, #tpu.memory_space<vmem>>, %arg10: memref<16384xi32, #tpu.memory_space<vmem>>, %arg11: memref<16xi32, #tpu.memory_space<vmem>>, %arg12: memref<16xi32, #tpu.memory_space<vmem>>, %arg13: memref<16xi32, #tpu.memory_space<vmem>>, %arg14: memref<2304xi32, #tpu.memory_space<vmem_shared>>, %arg15: memref<144xi32, #tpu.memory_space<vmem_shared>>) attributes {dimension_semantics = [#tpu.dimension_semantics<core_parallel>, #tpu.dimension_semantics<subcore_parallel>], iteration_bounds = array<i64: 2, 16>, scalar_prefetch = 0 : i64, scratch_operands = 11 : i64, tpu.core_type = #tpu.core_type<sc_vector_subcore>, window_params = [{transform_indices = #map}, {transform_indices = #map}, {transform_indices = #map}]} {
    %mul3A = arith.constant 262144 : i32
    %mul3A_0 = arith.muli %arg0, %mul3A : i32
    %mul3A_1 = arith.constant 16384 : i32
    %mul3A_2 = arith.muli %arg1, %mul3A_1 : i32
    %add3A = arith.addi %mul3A_0, %mul3A_2 : i32
    "tpu.region"() ({
      %run_scoped3A = tpu.sem_alloc : memref<!tpu.dma_semaphore, #tpu.memory_space<semaphore_mem>>
      %dma_start3A = tpu.memref_slice %arg2[%add3A] : memref<524288xi32, #tpu.memory_space<hbm>> -> memref<16384xi32, #tpu.memory_space<hbm>>
      %dma_start3A_28 = tpu.memref_slice %arg2[%add3A] : memref<524288xi32, #tpu.memory_space<hbm>> -> memref<16384xi32, #tpu.memory_space<hbm>>
      tpu.enqueue_dma source(%dma_start3A_28 : memref<16384xi32, #tpu.memory_space<hbm>>) target(%arg5 : memref<16384xi32, #tpu.memory_space<vmem>>) target_semaphore(%run_scoped3A : memref<!tpu.dma_semaphore, #tpu.memory_space<semaphore_mem>>)
      %dma_wait3A = tpu.memref_slice %arg2[%add3A] : memref<524288xi32, #tpu.memory_space<hbm>> -> memref<16384xi32, #tpu.memory_space<hbm>>
      %dma_wait3A_29 = tpu.memref_slice %arg2[%add3A] : memref<524288xi32, #tpu.memory_space<hbm>> -> memref<16384xi32, #tpu.memory_space<hbm>>
      tpu.wait_dma2 semaphore(%run_scoped3A : memref<!tpu.dma_semaphore, #tpu.memory_space<semaphore_mem>>) src(%dma_wait3A_29 : memref<16384xi32, #tpu.memory_space<hbm>>) dst(%arg5 : memref<16384xi32, #tpu.memory_space<vmem>>)
      tpu.yield
    }) : () -> ()
    "tpu.region"() ({
      %run_scoped3A = tpu.sem_alloc : memref<!tpu.dma_semaphore, #tpu.memory_space<semaphore_mem>>
      %dma_start3A = tpu.memref_slice %arg3[%add3A] : memref<524288xi32, #tpu.memory_space<hbm>> -> memref<16384xi32, #tpu.memory_space<hbm>>
      %dma_start3A_28 = tpu.memref_slice %arg3[%add3A] : memref<524288xi32, #tpu.memory_space<hbm>> -> memref<16384xi32, #tpu.memory_space<hbm>>
      tpu.enqueue_dma source(%dma_start3A_28 : memref<16384xi32, #tpu.memory_space<hbm>>) target(%arg6 : memref<16384xi32, #tpu.memory_space<vmem>>) target_semaphore(%run_scoped3A : memref<!tpu.dma_semaphore, #tpu.memory_space<semaphore_mem>>)
      %dma_wait3A = tpu.memref_slice %arg3[%add3A] : memref<524288xi32, #tpu.memory_space<hbm>> -> memref<16384xi32, #tpu.memory_space<hbm>>
      %dma_wait3A_29 = tpu.memref_slice %arg3[%add3A] : memref<524288xi32, #tpu.memory_space<hbm>> -> memref<16384xi32, #tpu.memory_space<hbm>>
      tpu.wait_dma2 semaphore(%run_scoped3A : memref<!tpu.dma_semaphore, #tpu.memory_space<semaphore_mem>>) src(%dma_wait3A_29 : memref<16384xi32, #tpu.memory_space<hbm>>) dst(%arg6 : memref<16384xi32, #tpu.memory_space<vmem>>)
      tpu.yield
    }) : () -> ()
    %broadcast_in_dim3A = arith.constant 0 : i32
    %broadcast_in_dim3A_3 = vector.broadcast %broadcast_in_dim3A : i32 to vector<16xi32>
    %broadcast_in_dim3A_4 = arith.constant 1 : i32
    %broadcast_in_dim3A_5 = vector.broadcast %broadcast_in_dim3A_4 : i32 to vector<16xi32>
    %scan3A = arith.constant 0 : i32
    %scan3A_6 = arith.constant 0 : i32
    %scan3A_7 = arith.constant 1024 : i32
    %scan3A_8 = arith.addi %scan3A_6, %scan3A_7 : i32
    %scan3A_9 = arith.constant 1 : i32
    scf.for %scan3A_28 = %scan3A_6 to %scan3A_8 step %scan3A_9  : i32 {
      %mul3A_29 = arith.constant 16 : i32
      %mul3A_30 = arith.muli %scan3A_28, %mul3A_29 : i32
      %get3A = arith.index_cast %mul3A_30 : i32 to index
      %get3A_31 = tpu.vector_load %arg6[%get3A] {strides = array<i32>} : memref<16384xi32, #tpu.memory_space<vmem>>, vector<16xi32>,
      %get3A_32 = vector.shape_cast %get3A_31 : vector<16xi32> to vector<16xi32>
      %get3A_33 = arith.index_cast %mul3A_30 : i32 to index
      %get3A_34 = tpu.vector_load %arg5[%get3A_33] {strides = array<i32>} : memref<16384xi32, #tpu.memory_space<vmem>>, vector<16xi32>,
      %get3A_35 = vector.shape_cast %get3A_34 : vector<16xi32> to vector<16xi32>
      %add3A_36 = arith.addi %get3A_32, %get3A_35 : vector<16xi32>
      %min3A = arith.constant 143 : i32
      %min3A_37 = vector.broadcast %min3A : i32 to vector<16xi32>
      %min3A_38 = arith.minsi %add3A_36, %min3A_37 : vector<16xi32>
      %mul3A_39 = arith.constant 144 : i32
      %mul3A_40 = arith.muli %arg1, %mul3A_39 : i32
      %add3A_41 = vector.broadcast %mul3A_40 : i32 to vector<16xi32>
      %add3A_42 = arith.addi %min3A_38, %add3A_41 : vector<16xi32>
      %swap3A = arith.index_cast %mul3A_30 : i32 to index
      %swap3A_43 = tpu.vector_load %arg7[%swap3A] {strides = array<i32>} : memref<16384xi32, #tpu.memory_space<vmem>>, vector<16xi32>,
      %swap3A_44 = vector.shape_cast %swap3A_43 : vector<16xi32> to vector<16xi32>
      %swap3A_45 = vector.shape_cast %add3A_42 : vector<16xi32> to vector<16xi32>
      tpu.vector_store %arg7[%swap3A], %swap3A_45 {strides = array<i32>} : memref<16384xi32, #tpu.memory_space<vmem>>, vector<16xi32>,
      %swap3A_46 = arith.index_cast %mul3A_30 : i32 to index
      %swap3A_47 = tpu.vector_load %arg8[%swap3A_46] {strides = array<i32>} : memref<16384xi32, #tpu.memory_space<vmem>>, vector<16xi32>,
      %swap3A_48 = vector.shape_cast %swap3A_47 : vector<16xi32> to vector<16xi32>
      %swap3A_49 = vector.shape_cast %broadcast_in_dim3A_5 : vector<16xi32> to vector<16xi32>
      tpu.vector_store %arg8[%swap3A_46], %swap3A_49 {strides = array<i32>} : memref<16384xi32, #tpu.memory_space<vmem>>, vector<16xi32>,
    }
    %scan3A_10 = arith.constant 1024 : i32
    %scan3A_11 = arith.constant 0 : i32
    %scan3A_12 = arith.constant 0 : i32
    %scan3A_13 = arith.constant 9 : i32
    %scan3A_14 = arith.addi %scan3A_12, %scan3A_13 : i32
    %scan3A_15 = arith.constant 1 : i32
    scf.for %scan3A_28 = %scan3A_12 to %scan3A_14 step %scan3A_15  : i32 {
      %mul3A_29 = arith.constant 16 : i32
      %mul3A_30 = arith.muli %scan3A_28, %mul3A_29 : i32
      %swap3A = arith.index_cast %mul3A_30 : i32 to index
      %swap3A_31 = tpu.vector_load %arg9[%swap3A] {strides = array<i32>} : memref<144xi32, #tpu.memory_space<vmem>>, vector<16xi32>,
      %swap3A_32 = vector.shape_cast %swap3A_31 : vector<16xi32> to vector<16xi32>
      %swap3A_33 = vector.shape_cast %broadcast_in_dim3A_3 : vector<16xi32> to vector<16xi32>
      tpu.vector_store %arg9[%swap3A], %swap3A_33 {strides = array<i32>} : memref<144xi32, #tpu.memory_space<vmem>>, vector<16xi32>,
    }
    %scan3A_16 = arith.constant 9 : i32
    %mul3A_17 = arith.constant 144 : i32
    %mul3A_18 = arith.muli %arg1, %mul3A_17 : i32
    "tpu.region"() ({
      %run_scoped3A = tpu.sem_alloc : memref<!tpu.dma_semaphore, #tpu.memory_space<semaphore_mem>>
      %dma_start3A = tpu.memref_slice %arg14[%mul3A_18] : memref<2304xi32, #tpu.memory_space<vmem_shared>> -> memref<144xi32, #tpu.memory_space<vmem_shared>>
      %dma_start3A_28 = tpu.memref_slice %arg14[%mul3A_18] : memref<2304xi32, #tpu.memory_space<vmem_shared>> -> memref<144xi32, #tpu.memory_space<vmem_shared>>
      tpu.enqueue_dma source(%arg9 : memref<144xi32, #tpu.memory_space<vmem>>) target(%dma_start3A_28 : memref<144xi32, #tpu.memory_space<vmem_shared>>) target_semaphore(%run_scoped3A : memref<!tpu.dma_semaphore, #tpu.memory_space<semaphore_mem>>)
      %dma_wait3A = tpu.memref_slice %arg14[%mul3A_18] : memref<2304xi32, #tpu.memory_space<vmem_shared>> -> memref<144xi32, #tpu.memory_space<vmem_shared>>
      %dma_wait3A_29 = tpu.memref_slice %arg14[%mul3A_18] : memref<2304xi32, #tpu.memory_space<vmem_shared>> -> memref<144xi32, #tpu.memory_space<vmem_shared>>
      tpu.wait_dma2 semaphore(%run_scoped3A : memref<!tpu.dma_semaphore, #tpu.memory_space<semaphore_mem>>) src(%arg9 : memref<144xi32, #tpu.memory_space<vmem>>) dst(%dma_wait3A_29 : memref<144xi32, #tpu.memory_space<vmem_shared>>)
      tpu.yield
    }) : () -> ()
    "tpu.region"() ({
      %run_scoped3A = tpu.sem_alloc : memref<!tpu.dma_semaphore, #tpu.memory_space<semaphore_mem>>
      %dma_start3A = arith.constant 0 : i32
      %dma_start3A_28 = tpu.memref_slice %arg14[%dma_start3A] : memref<2304xi32, #tpu.memory_space<vmem_shared>> -> memref<2304xi32, #tpu.memory_space<vmem_shared>>
      tpu.enqueue_indirect_dma source(%arg8 : memref<16384xi32, #tpu.memory_space<vmem>>) target(%dma_start3A_28 : memref<2304xi32, #tpu.memory_space<vmem_shared>>) offsets(%arg7 : memref<16384xi32, #tpu.memory_space<vmem>>) semaphore(%run_scoped3A : memref<!tpu.dma_semaphore, #tpu.memory_space<semaphore_mem>>) {add = true}
      %dma_wait3A = arith.constant 0 : i32
      %dma_wait3A_29 = tpu.memref_slice %arg14[%dma_wait3A] : memref<2304xi32, #tpu.memory_space<vmem_shared>> -> memref<2304xi32, #tpu.memory_space<vmem_shared>>
      tpu.wait_indirect_dma semaphore(%run_scoped3A : memref<!tpu.dma_semaphore, #tpu.memory_space<semaphore_mem>>) src(%arg8 : memref<16384xi32, #tpu.memory_space<vmem>>) dst(%dma_wait3A_29 : memref<2304xi32, #tpu.memory_space<vmem_shared>>)
      tpu.yield
    }) : () -> ()
    %barrier3A = arith.constant 0 : index
    tpu.barrier barrier_id(%barrier3A)
    %lt3A = arith.constant 9 : i32
    %lt3A_19 = arith.cmpi slt, %arg1, %lt3A : i32
    %convert_element_type3A = arith.extui %lt3A_19 : i1 to i32
    %cond3A = arith.constant 0 : i32
    %cond3A_20 = arith.cmpi ne, %convert_element_type3A, %cond3A : i32
    scf.if %cond3A_20 {
      %swap3A = arith.constant 0 : index
      %swap3A_28 = tpu.vector_load %arg12[%swap3A] {strides = array<i32>} : memref<16xi32, #tpu.memory_space<vmem>>, vector<16xi32>,
      %swap3A_29 = vector.shape_cast %swap3A_28 : vector<16xi32> to vector<16xi32>
      %swap3A_30 = vector.shape_cast %broadcast_in_dim3A_3 : vector<16xi32> to vector<16xi32>
      tpu.vector_store %arg12[%swap3A], %swap3A_30 {strides = array<i32>} : memref<16xi32, #tpu.memory_space<vmem>>, vector<16xi32>,
      %scan3A_31 = arith.constant 0 : i32
      %scan3A_32 = arith.constant 0 : i32
      %scan3A_33 = arith.constant 16 : i32
      %scan3A_34 = arith.addi %scan3A_32, %scan3A_33 : i32
      %scan3A_35 = arith.constant 1 : i32
      scf.for %scan3A_51 = %scan3A_32 to %scan3A_34 step %scan3A_35  : i32 {
        %mul3A_52 = arith.constant 144 : i32
        %mul3A_53 = arith.muli %scan3A_51, %mul3A_52 : i32
        %mul3A_54 = arith.constant 16 : i32
        %mul3A_55 = arith.muli %arg1, %mul3A_54 : i32
        %add3A_56 = arith.addi %mul3A_53, %mul3A_55 : i32
        "tpu.region"() ({
          %run_scoped3A = tpu.sem_alloc : memref<!tpu.dma_semaphore, #tpu.memory_space<semaphore_mem>>
          %dma_start3A = tpu.memref_slice %arg14[%add3A_56] : memref<2304xi32, #tpu.memory_space<vmem_shared>> -> memref<16xi32, #tpu.memory_space<vmem_shared>>
          %dma_start3A_68 = tpu.memref_slice %arg14[%add3A_56] : memref<2304xi32, #tpu.memory_space<vmem_shared>> -> memref<16xi32, #tpu.memory_space<vmem_shared>>
          tpu.enqueue_dma source(%dma_start3A_68 : memref<16xi32, #tpu.memory_space<vmem_shared>>) target(%arg11 : memref<16xi32, #tpu.memory_space<vmem>>) target_semaphore(%run_scoped3A : memref<!tpu.dma_semaphore, #tpu.memory_space<semaphore_mem>>)
          %dma_wait3A = tpu.memref_slice %arg14[%add3A_56] : memref<2304xi32, #tpu.memory_space<vmem_shared>> -> memref<16xi32, #tpu.memory_space<vmem_shared>>
          %dma_wait3A_69 = tpu.memref_slice %arg14[%add3A_56] : memref<2304xi32, #tpu.memory_space<vmem_shared>> -> memref<16xi32, #tpu.memory_space<vmem_shared>>
          tpu.wait_dma2 semaphore(%run_scoped3A : memref<!tpu.dma_semaphore, #tpu.memory_space<semaphore_mem>>) src(%dma_wait3A_69 : memref<16xi32, #tpu.memory_space<vmem_shared>>) dst(%arg11 : memref<16xi32, #tpu.memory_space<vmem>>)
          tpu.yield
        }) : () -> ()
        %get3A_57 = arith.constant 0 : index
        %get3A_58 = tpu.vector_load %arg12[%get3A_57] {strides = array<i32>} : memref<16xi32, #tpu.memory_space<vmem>>, vector<16xi32>,
        %get3A_59 = vector.shape_cast %get3A_58 : vector<16xi32> to vector<16xi32>
        %get3A_60 = arith.constant 0 : index
        %get3A_61 = tpu.vector_load %arg11[%get3A_60] {strides = array<i32>} : memref<16xi32, #tpu.memory_space<vmem>>, vector<16xi32>,
        %get3A_62 = vector.shape_cast %get3A_61 : vector<16xi32> to vector<16xi32>
        %add3A_63 = arith.addi %get3A_59, %get3A_62 : vector<16xi32>
        %swap3A_64 = arith.constant 0 : index
        %swap3A_65 = tpu.vector_load %arg12[%swap3A_64] {strides = array<i32>} : memref<16xi32, #tpu.memory_space<vmem>>, vector<16xi32>,
        %swap3A_66 = vector.shape_cast %swap3A_65 : vector<16xi32> to vector<16xi32>
        %swap3A_67 = vector.shape_cast %add3A_63 : vector<16xi32> to vector<16xi32>
        tpu.vector_store %arg12[%swap3A_64], %swap3A_67 {strides = array<i32>} : memref<16xi32, #tpu.memory_space<vmem>>, vector<16xi32>,
      }
      %scan3A_36 = arith.constant 16 : i32
      %get3A = arith.constant 0 : index
      %get3A_37 = tpu.vector_load %arg12[%get3A] {strides = array<i32>} : memref<16xi32, #tpu.memory_space<vmem>>, vector<16xi32>,
      %get3A_38 = vector.shape_cast %get3A_37 : vector<16xi32> to vector<16xi32>
      %sub3A = arith.constant 4095 : i32
      %sub3A_39 = vector.broadcast %sub3A : i32 to vector<16xi32>
      %sub3A_40 = arith.subi %get3A_38, %sub3A_39 : vector<16xi32>
      %max3A = arith.constant 0 : i32
      %max3A_41 = vector.broadcast %max3A : i32 to vector<16xi32>
      %max3A_42 = arith.maxsi %sub3A_40, %max3A_41 : vector<16xi32>
      %min3A = arith.constant 1 : i32
      %min3A_43 = vector.broadcast %min3A : i32 to vector<16xi32>
      %min3A_44 = arith.minsi %max3A_42, %min3A_43 : vector<16xi32>
      %swap3A_45 = arith.constant 0 : index
      %swap3A_46 = tpu.vector_load %arg13[%swap3A_45] {strides = array<i32>} : memref<16xi32, #tpu.memory_space<vmem>>, vector<16xi32>,
      %swap3A_47 = vector.shape_cast %swap3A_46 : vector<16xi32> to vector<16xi32>
      %swap3A_48 = vector.shape_cast %min3A_44 : vector<16xi32> to vector<16xi32>
      tpu.vector_store %arg13[%swap3A_45], %swap3A_48 {strides = array<i32>} : memref<16xi32, #tpu.memory_space<vmem>>, vector<16xi32>,
      %mul3A_49 = arith.constant 16 : i32
      %mul3A_50 = arith.muli %arg1, %mul3A_49 : i32
      "tpu.region"() ({
        %run_scoped3A = tpu.sem_alloc : memref<!tpu.dma_semaphore, #tpu.memory_space<semaphore_mem>>
        %dma_start3A = tpu.memref_slice %arg15[%mul3A_50] : memref<144xi32, #tpu.memory_space<vmem_shared>> -> memref<16xi32, #tpu.memory_space<vmem_shared>>
        %dma_start3A_51 = tpu.memref_slice %arg15[%mul3A_50] : memref<144xi32, #tpu.memory_space<vmem_shared>> -> memref<16xi32, #tpu.memory_space<vmem_shared>>
        tpu.enqueue_dma source(%arg13 : memref<16xi32, #tpu.memory_space<vmem>>) target(%dma_start3A_51 : memref<16xi32, #tpu.memory_space<vmem_shared>>) target_semaphore(%run_scoped3A : memref<!tpu.dma_semaphore, #tpu.memory_space<semaphore_mem>>)
        %dma_wait3A = tpu.memref_slice %arg15[%mul3A_50] : memref<144xi32, #tpu.memory_space<vmem_shared>> -> memref<16xi32, #tpu.memory_space<vmem_shared>>
        %dma_wait3A_52 = tpu.memref_slice %arg15[%mul3A_50] : memref<144xi32, #tpu.memory_space<vmem_shared>> -> memref<16xi32, #tpu.memory_space<vmem_shared>>
        tpu.wait_dma2 semaphore(%run_scoped3A : memref<!tpu.dma_semaphore, #tpu.memory_space<semaphore_mem>>) src(%arg13 : memref<16xi32, #tpu.memory_space<vmem>>) dst(%dma_wait3A_52 : memref<16xi32, #tpu.memory_space<vmem_shared>>)
        tpu.yield
      }) : () -> ()
    } else {
    }
    %barrier3A_21 = arith.constant 0 : index
    tpu.barrier barrier_id(%barrier3A_21)
    "tpu.region"() ({
      %run_scoped3A = tpu.sem_alloc : memref<!tpu.dma_semaphore, #tpu.memory_space<semaphore_mem>>
      %dma_start3A = arith.constant 0 : i32
      %dma_start3A_28 = tpu.memref_slice %arg15[%dma_start3A] : memref<144xi32, #tpu.memory_space<vmem_shared>> -> memref<144xi32, #tpu.memory_space<vmem_shared>>
      tpu.enqueue_indirect_dma source(%dma_start3A_28 : memref<144xi32, #tpu.memory_space<vmem_shared>>) target(%arg10 : memref<16384xi32, #tpu.memory_space<vmem>>) offsets(%arg6 : memref<16384xi32, #tpu.memory_space<vmem>>) semaphore(%run_scoped3A : memref<!tpu.dma_semaphore, #tpu.memory_space<semaphore_mem>>)
      %dma_wait3A = arith.constant 0 : i32
      %dma_wait3A_29 = tpu.memref_slice %arg15[%dma_wait3A] : memref<144xi32, #tpu.memory_space<vmem_shared>> -> memref<144xi32, #tpu.memory_space<vmem_shared>>
      tpu.wait_indirect_dma semaphore(%run_scoped3A : memref<!tpu.dma_semaphore, #tpu.memory_space<semaphore_mem>>) src(%dma_wait3A_29 : memref<144xi32, #tpu.memory_space<vmem_shared>>) dst(%arg10 : memref<16384xi32, #tpu.memory_space<vmem>>)
      tpu.yield
    }) : () -> ()
    %scan3A_22 = arith.constant 0 : i32
    %scan3A_23 = arith.constant 0 : i32
    %scan3A_24 = arith.constant 1024 : i32
    %scan3A_25 = arith.addi %scan3A_23, %scan3A_24 : i32
    %scan3A_26 = arith.constant 1 : i32
    scf.for %scan3A_28 = %scan3A_23 to %scan3A_25 step %scan3A_26  : i32 {
      %mul3A_29 = arith.constant 16 : i32
      %mul3A_30 = arith.muli %scan3A_28, %mul3A_29 : i32
      %get3A = arith.index_cast %mul3A_30 : i32 to index
      %get3A_31 = tpu.vector_load %arg6[%get3A] {strides = array<i32>} : memref<16384xi32, #tpu.memory_space<vmem>>, vector<16xi32>,
      %get3A_32 = vector.shape_cast %get3A_31 : vector<16xi32> to vector<16xi32>
      %get3A_33 = arith.index_cast %mul3A_30 : i32 to index
      %get3A_34 = tpu.vector_load %arg5[%get3A_33] {strides = array<i32>} : memref<16384xi32, #tpu.memory_space<vmem>>, vector<16xi32>,
      %get3A_35 = vector.shape_cast %get3A_34 : vector<16xi32> to vector<16xi32>
      %get3A_36 = arith.index_cast %mul3A_30 : i32 to index
      %get3A_37 = tpu.vector_load %arg10[%get3A_36] {strides = array<i32>} : memref<16384xi32, #tpu.memory_space<vmem>>, vector<16xi32>,
      %get3A_38 = vector.shape_cast %get3A_37 : vector<16xi32> to vector<16xi32>
      %min3A = arith.constant 1 : i32
      %min3A_39 = vector.broadcast %min3A : i32 to vector<16xi32>
      %min3A_40 = arith.minsi %get3A_35, %min3A_39 : vector<16xi32>
      %sub3A = arith.constant 1 : i32
      %sub3A_41 = vector.broadcast %sub3A : i32 to vector<16xi32>
      %sub3A_42 = arith.subi %sub3A_41, %min3A_40 : vector<16xi32>
      %mul3A_43 = arith.muli %sub3A_42, %get3A_38 : vector<16xi32>
      %add3A_44 = arith.constant 80 : i32
      %add3A_45 = vector.broadcast %add3A_44 : i32 to vector<16xi32>
      %add3A_46 = arith.addi %get3A_32, %add3A_45 : vector<16xi32>
      %mul3A_47 = arith.muli %mul3A_43, %add3A_46 : vector<16xi32>
      %add3A_48 = arith.addi %get3A_35, %mul3A_47 : vector<16xi32>
      %swap3A = arith.index_cast %mul3A_30 : i32 to index
      %swap3A_49 = tpu.vector_load %arg5[%swap3A] {strides = array<i32>} : memref<16384xi32, #tpu.memory_space<vmem>>, vector<16xi32>,
      %swap3A_50 = vector.shape_cast %swap3A_49 : vector<16xi32> to vector<16xi32>
      %swap3A_51 = vector.shape_cast %add3A_48 : vector<16xi32> to vector<16xi32>
      tpu.vector_store %arg5[%swap3A], %swap3A_51 {strides = array<i32>} : memref<16384xi32, #tpu.memory_space<vmem>>, vector<16xi32>,
    }
    %scan3A_27 = arith.constant 1024 : i32
    "tpu.region"() ({
      %run_scoped3A = tpu.sem_alloc : memref<!tpu.dma_semaphore, #tpu.memory_space<semaphore_mem>>
      %dma_start3A = tpu.memref_slice %arg4[%add3A] : memref<524288xi32, #tpu.memory_space<hbm>> -> memref<16384xi32, #tpu.memory_space<hbm>>
      %dma_start3A_28 = tpu.memref_slice %arg4[%add3A] : memref<524288xi32, #tpu.memory_space<hbm>> -> memref<16384xi32, #tpu.memory_space<hbm>>
      tpu.enqueue_dma source(%arg5 : memref<16384xi32, #tpu.memory_space<vmem>>) target(%dma_start3A_28 : memref<16384xi32, #tpu.memory_space<hbm>>) target_semaphore(%run_scoped3A : memref<!tpu.dma_semaphore, #tpu.memory_space<semaphore_mem>>)
      %dma_wait3A = tpu.memref_slice %arg4[%add3A] : memref<524288xi32, #tpu.memory_space<hbm>> -> memref<16384xi32, #tpu.memory_space<hbm>>
      %dma_wait3A_29 = tpu.memref_slice %arg4[%add3A] : memref<524288xi32, #tpu.memory_space<hbm>> -> memref<16384xi32, #tpu.memory_space<hbm>>
      tpu.wait_dma2 semaphore(%run_scoped3A : memref<!tpu.dma_semaphore, #tpu.memory_space<semaphore_mem>>) src(%arg5 : memref<16384xi32, #tpu.memory_space<vmem>>) dst(%dma_wait3A_29 : memref<16384xi32, #tpu.memory_space<hbm>>)
      tpu.yield
    }) : () -> ()
    return
  }
}

module attributes {stable_mosaic.version = 14 : i64} {
  func.func @_fuse_kernel(%arg0: i32, %arg1: i32, %arg2: memref<2x100xi32, #tpu.memory_space<smem>>, %arg3: memref<2x100xi32, #tpu.memory_space<smem>>, %arg4: memref<2x100xi32, #tpu.memory_space<smem>>, %arg5: memref<1x1x512x512xi32, #tpu.memory_space<vmem>>, %arg6: memref<1x512x512xi32, #tpu.memory_space<vmem>>, %arg7: memref<1xi32, #tpu.memory_space<smem>>) attributes {dimension_semantics = [#tpu.dimension_semantics<parallel>, #tpu.dimension_semantics<arbitrary>], iteration_bounds = array<i64: 2, 100>, scalar_prefetch = 3 : i64, scratch_operands = 1 : i64, tpu.core_type = #tpu.core_type<tc>, window_params = [{transform_indices = @transform_0, window_bounds = array<i64: 1, 1, 512, 512>}, {transform_indices = @transform_1, window_bounds = array<i64: 1, 512, 512>}]} {
    %eq3A = arith.constant 0 : i32
    %eq3A_0 = arith.cmpi eq, %arg1, %eq3A : i32
    %convert_element_type3A = arith.extui %eq3A_0 : i1 to i32
    %cond3A = arith.constant 0 : i32
    %cond3A_1 = arith.cmpi ne, %convert_element_type3A, %cond3A : i32
    scf.if %cond3A_1 {
      %broadcast_in_dim3A = arith.constant 0 : i32
      %broadcast_in_dim3A_8 = vector.broadcast %broadcast_in_dim3A : i32 to vector<1x512x512xi32>
      %swap3A = arith.constant 0 : index
      %swap3A_9 = arith.constant 0 : index
      %swap3A_10 = arith.constant 0 : index
      %swap3A_11 = vector.load %arg6[%swap3A, %swap3A_9, %swap3A_10] : memref<1x512x512xi32, #tpu.memory_space<vmem>>, vector<1x512x512xi32>
      tpu.vector_store %arg6[%swap3A, %swap3A_9, %swap3A_10], %broadcast_in_dim3A_8 {strides = array<i32>} : memref<1x512x512xi32, #tpu.memory_space<vmem>>, vector<1x512x512xi32>,
      %swap3A_12 = arith.constant 1 : i32
      %swap3A_13 = arith.constant 0 : index
      %swap3A_14 = memref.load %arg7[%swap3A_13] : memref<1xi32, #tpu.memory_space<smem>>
      memref.store %swap3A_12, %arg7[%swap3A_13] : memref<1xi32, #tpu.memory_space<smem>>
    } else {
    }
    %get3A = arith.index_cast %arg0 : i32 to index
    %get3A_2 = arith.index_cast %arg1 : i32 to index
    %get3A_3 = memref.load %arg3[%get3A, %get3A_2] : memref<2x100xi32, #tpu.memory_space<smem>>
    %gt3A = arith.constant 0 : i32
    %gt3A_4 = arith.cmpi sgt, %get3A_3, %gt3A : i32
    %convert_element_type3A_5 = arith.extui %gt3A_4 : i1 to i32
    %cond3A_6 = arith.constant 0 : i32
    %cond3A_7 = arith.cmpi ne, %convert_element_type3A_5, %cond3A_6 : i32
    scf.if %cond3A_7 {
      %get3A_8 = arith.constant 0 : index
      %get3A_9 = arith.constant 0 : index
      %get3A_10 = arith.constant 0 : index
      %get3A_11 = arith.constant 0 : index
      %get3A_12 = vector.load %arg5[%get3A_8, %get3A_9, %get3A_10, %get3A_11] : memref<1x1x512x512xi32, #tpu.memory_space<vmem>>, vector<1x1x512x512xi32>
      %get3A_13 = vector.shape_cast %get3A_12 : vector<1x1x512x512xi32> to vector<512x512xi32>
      %get3A_14 = arith.constant dense<0> : vector<512x512xi32>
      %get3A_15 = arith.cmpi ne, %get3A_13, %get3A_14 : vector<512x512xi32>
      %convert_element_type3A_16 = arith.extui %get3A_15 : vector<512x512xi1> to vector<512x512xi32>
      %ne3A = arith.constant 0 : i32
      %ne3A_17 = vector.broadcast %ne3A : i32 to vector<512x512xi32>
      %ne3A_18 = arith.cmpi ne, %convert_element_type3A_16, %ne3A_17 : vector<512x512xi32>
      %get3A_19 = arith.constant 0 : index
      %get3A_20 = arith.constant 0 : index
      %get3A_21 = arith.constant 0 : index
      %get3A_22 = vector.load %arg6[%get3A_19, %get3A_20, %get3A_21] : memref<1x512x512xi32, #tpu.memory_space<vmem>>, vector<1x512x512xi32>
      %get3A_23 = vector.shape_cast %get3A_22 : vector<1x512x512xi32> to vector<512x512xi32>
      %convert_element_type3A_24 = arith.extui %ne3A_18 : vector<512x512xi1> to vector<512x512xi32>
      %reduce_sum3A = vector.shape_cast %convert_element_type3A_24 : vector<512x512xi32> to vector<1x512x512xi32>
      %reduce_sum3A_25 = arith.constant dense<0> : vector<1xi32>
      %reduce_sum3A_26 = vector.multi_reduction <add>, %reduce_sum3A, %reduce_sum3A_25 [1, 2] : vector<1x512x512xi32> to vector<1xi32>
      %reduce_sum3A_27 = vector.shape_cast %reduce_sum3A_26 : vector<1xi32> to vector<1x1x1xi32>
      %reduce_sum3A_28 = vector.extract %reduce_sum3A_27[0, 0, 0] : i32 from vector<1x1x1xi32>
      %ne3A_29 = arith.constant 0 : i32
      %ne3A_30 = vector.broadcast %ne3A_29 : i32 to vector<512x512xi32>
      %ne3A_31 = arith.cmpi ne, %get3A_23, %ne3A_30 : vector<512x512xi32>
      %jit3A = arith.constant 0 : i32
      %broadcast_in_dim3A = vector.broadcast %jit3A : i32 to vector<512x512xi32>
      %select_n3A = arith.select %ne3A_31, %convert_element_type3A_24, %broadcast_in_dim3A : vector<512x512xi1>, vector<512x512xi32>
      %reduce_sum3A_32 = vector.shape_cast %select_n3A : vector<512x512xi32> to vector<1x512x512xi32>
      %reduce_sum3A_33 = arith.constant dense<0> : vector<1xi32>
      %reduce_sum3A_34 = vector.multi_reduction <add>, %reduce_sum3A_32, %reduce_sum3A_33 [1, 2] : vector<1x512x512xi32> to vector<1xi32>
      %reduce_sum3A_35 = vector.shape_cast %reduce_sum3A_34 : vector<1xi32> to vector<1x1x1xi32>
      %reduce_sum3A_36 = vector.extract %reduce_sum3A_35[0, 0, 0] : i32 from vector<1x1x1xi32>
      %gt3A_37 = arith.constant 0 : i32
      %gt3A_38 = arith.cmpi sgt, %reduce_sum3A_28, %gt3A_37 : i32
      %mul3A = arith.constant 2 : i32
      %mul3A_39 = arith.muli %mul3A, %reduce_sum3A_36 : i32
      %le3A = arith.cmpi sle, %mul3A_39, %reduce_sum3A_28 : i32
      %and3A = arith.andi %gt3A_38, %le3A : i1
      %convert_element_type3A_40 = arith.extui %and3A : i1 to i32
      %cond3A_41 = arith.constant 0 : i32
      %cond3A_42 = arith.cmpi ne, %convert_element_type3A_40, %cond3A_41 : i32
      scf.if %cond3A_42 {
        %get3A_43 = arith.index_cast %arg0 : i32 to index
        %get3A_44 = arith.index_cast %arg1 : i32 to index
        %get3A_45 = memref.load %arg4[%get3A_43, %get3A_44] : memref<2x100xi32, #tpu.memory_space<smem>>
        %get3A_46 = arith.constant 0 : index
        %get3A_47 = memref.load %arg7[%get3A_46] : memref<1xi32, #tpu.memory_space<smem>>
        %mul3A_48 = arith.constant 1000 : i32
        %mul3A_49 = arith.muli %get3A_47, %mul3A_48 : i32
        %add3A = arith.addi %get3A_45, %mul3A_49 : i32
        %get3A_50 = arith.constant 0 : index
        %get3A_51 = arith.constant 0 : index
        %get3A_52 = arith.constant 0 : index
        %get3A_53 = vector.load %arg6[%get3A_50, %get3A_51, %get3A_52] : memref<1x512x512xi32, #tpu.memory_space<vmem>>, vector<1x512x512xi32>
        %get3A_54 = vector.shape_cast %get3A_53 : vector<1x512x512xi32> to vector<512x512xi32>
        %get3A_55 = arith.constant 0 : index
        %get3A_56 = arith.constant 0 : index
        %get3A_57 = arith.constant 0 : index
        %get3A_58 = arith.constant 0 : index
        %get3A_59 = vector.load %arg5[%get3A_55, %get3A_56, %get3A_57, %get3A_58] : memref<1x1x512x512xi32, #tpu.memory_space<vmem>>, vector<1x1x512x512xi32>
        %get3A_60 = vector.shape_cast %get3A_59 : vector<1x1x512x512xi32> to vector<512x512xi32>
        %get3A_61 = arith.constant dense<0> : vector<512x512xi32>
        %get3A_62 = arith.cmpi ne, %get3A_60, %get3A_61 : vector<512x512xi32>
        %convert_element_type3A_63 = arith.extui %get3A_62 : vector<512x512xi1> to vector<512x512xi32>
        %ne3A_64 = arith.constant 0 : i32
        %ne3A_65 = vector.broadcast %ne3A_64 : i32 to vector<512x512xi32>
        %ne3A_66 = arith.cmpi ne, %convert_element_type3A_63, %ne3A_65 : vector<512x512xi32>
        %eq3A_67 = arith.constant 0 : i32
        %eq3A_68 = vector.broadcast %eq3A_67 : i32 to vector<512x512xi32>
        %eq3A_69 = arith.cmpi eq, %get3A_54, %eq3A_68 : vector<512x512xi32>
        %and3A_70 = arith.andi %ne3A_66, %eq3A_69 : vector<512x512xi1>
        %broadcast_in_dim3A_71 = vector.broadcast %add3A : i32 to vector<512x512xi32>
        %select_n3A_72 = arith.select %and3A_70, %broadcast_in_dim3A_71, %get3A_54 : vector<512x512xi1>, vector<512x512xi32>
        %swap3A = arith.constant 0 : index
        %swap3A_73 = arith.constant 0 : index
        %swap3A_74 = arith.constant 0 : index
        %swap3A_75 = vector.load %arg6[%swap3A, %swap3A_73, %swap3A_74] : memref<1x512x512xi32, #tpu.memory_space<vmem>>, vector<1x512x512xi32>
        %swap3A_76 = vector.shape_cast %swap3A_75 : vector<1x512x512xi32> to vector<512x512xi32>
        %swap3A_77 = vector.shape_cast %select_n3A_72 : vector<512x512xi32> to vector<1x512x512xi32>
        tpu.vector_store %arg6[%swap3A, %swap3A_73, %swap3A_74], %swap3A_77 {strides = array<i32>} : memref<1x512x512xi32, #tpu.memory_space<vmem>>, vector<1x512x512xi32>,
        %get3A_78 = arith.constant 0 : index
        %get3A_79 = memref.load %arg7[%get3A_78] : memref<1xi32, #tpu.memory_space<smem>>
        %add3A_80 = arith.constant 1 : i32
        %add3A_81 = arith.addi %get3A_79, %add3A_80 : i32
        %swap3A_82 = arith.constant 0 : index
        %swap3A_83 = memref.load %arg7[%swap3A_82] : memref<1xi32, #tpu.memory_space<smem>>
        memref.store %add3A_81, %arg7[%swap3A_82] : memref<1xi32, #tpu.memory_space<smem>>
      } else {
      }
    } else {
    }
    return
  }
  func.func @transform_0(%arg0: i32, %arg1: i32, %arg2: memref<2x100xi32, #tpu.memory_space<smem>>, %arg3: memref<2x100xi32, #tpu.memory_space<smem>>, %arg4: memref<2x100xi32, #tpu.memory_space<smem>>) -> (i32, i32, i32, i32) {
    %get3A = arith.index_cast %arg0 : i32 to index
    %get3A_0 = arith.index_cast %arg1 : i32 to index
    %get3A_1 = memref.load %arg2[%get3A, %get3A_0] : memref<2x100xi32, #tpu.memory_space<smem>>
    %c0_i32 = arith.constant 0 : i32
    %c0_i32_2 = arith.constant 0 : i32
    %c0_i32_3 = arith.constant 0 : i32
    return %arg0, %get3A_1, %c0_i32, %c0_i32_2 : i32, i32, i32, i32
  }
  func.func @transform_1(%arg0: i32, %arg1: i32, %arg2: memref<2x100xi32, #tpu.memory_space<smem>>, %arg3: memref<2x100xi32, #tpu.memory_space<smem>>, %arg4: memref<2x100xi32, #tpu.memory_space<smem>>) -> (i32, i32, i32) {
    %c0_i32 = arith.constant 0 : i32
    %c0_i32_0 = arith.constant 0 : i32
    %c0_i32_1 = arith.constant 0 : i32
    return %arg0, %c0_i32, %c0_i32_0 : i32, i32, i32
  }
}

module attributes {stable_mosaic.version = 14 : i64} {
  func.func @_sort_kernel(%arg0: i32, %arg1: memref<1x1x128xf32, #tpu.memory_space<vmem>>, %arg2: memref<1x128x1xf32, #tpu.memory_space<vmem>>, %arg3: memref<1x128x1xi32, #tpu.memory_space<vmem>>, %arg4: memref<1x1x128xi32, #tpu.memory_space<vmem>>, %arg5: memref<1x1x128xi32, #tpu.memory_space<vmem>>, %arg6: memref<1x1x128xi32, #tpu.memory_space<vmem>>) attributes {dimension_semantics = [#tpu.dimension_semantics<arbitrary>], iteration_bounds = array<i64: 2>, scalar_prefetch = 0 : i64, scratch_operands = 0 : i64, tpu.core_type = #tpu.core_type<tc>, window_params = [{transform_indices = @transform_0, window_bounds = array<i64: 1, 1, 128>}, {transform_indices = @transform_1, window_bounds = array<i64: 1, 128, 1>}, {transform_indices = @transform_2, window_bounds = array<i64: 1, 128, 1>}, {transform_indices = @transform_3, window_bounds = array<i64: 1, 1, 128>}, {transform_indices = @transform_4, window_bounds = array<i64: 1, 1, 128>}, {transform_indices = @transform_5, window_bounds = array<i64: 1, 1, 128>}]} {
    %get3A = arith.constant 0 : index
    %get3A_0 = arith.constant 0 : index
    %get3A_1 = arith.constant 0 : index
    %get3A_2 = vector.load %arg2[%get3A, %get3A_0, %get3A_1] : memref<1x128x1xf32, #tpu.memory_space<vmem>>, vector<1x128x1xf32>
    %get3A_3 = vector.shape_cast %get3A_2 : vector<1x128x1xf32> to vector<128x1xf32>
    %get3A_4 = arith.constant 0 : index
    %get3A_5 = arith.constant 0 : index
    %get3A_6 = arith.constant 0 : index
    %get3A_7 = vector.load %arg1[%get3A_4, %get3A_5, %get3A_6] : memref<1x1x128xf32, #tpu.memory_space<vmem>>, vector<1x1x128xf32>
    %get3A_8 = vector.shape_cast %get3A_7 : vector<1x1x128xf32> to vector<1x128xf32>
    %iota3A = tpu.iota {dimensions = array<i32: 0>} : vector<128x128xi32>
    %iota3A_9 = tpu.iota {dimensions = array<i32: 1>} : vector<128x128xi32>
    %gt3A = vector.broadcast %get3A_8 : vector<1x128xf32> to vector<128x128xf32>
    %gt3A_10 = vector.broadcast %get3A_3 : vector<128x1xf32> to vector<128x128xf32>
    %gt3A_11 = arith.cmpf ogt, %gt3A, %gt3A_10 : vector<128x128xf32>
    %eq3A = vector.broadcast %get3A_8 : vector<1x128xf32> to vector<128x128xf32>
    %eq3A_12 = vector.broadcast %get3A_3 : vector<128x1xf32> to vector<128x128xf32>
    %eq3A_13 = arith.cmpf oeq, %eq3A, %eq3A_12 : vector<128x128xf32>
    %lt3A = arith.cmpi slt, %iota3A_9, %iota3A : vector<128x128xi32>
    %and3A = arith.andi %eq3A_13, %lt3A : vector<128x128xi1>
    %or3A = arith.ori %gt3A_11, %and3A : vector<128x128xi1>
    %convert_element_type3A = arith.extui %or3A : vector<128x128xi1> to vector<128x128xi32>
    %reduce_sum3A = arith.constant dense<0> : vector<128xi32>
    %reduce_sum3A_14 = vector.multi_reduction <add>, %convert_element_type3A, %reduce_sum3A [1] : vector<128x128xi32> to vector<128xi32>
    %broadcast_in_dim3A = vector.shape_cast %reduce_sum3A_14 : vector<128xi32> to vector<128x1xi32>
    %eq3A_15 = vector.broadcast %broadcast_in_dim3A : vector<128x1xi32> to vector<128x128xi32>
    %eq3A_16 = arith.cmpi eq, %eq3A_15, %iota3A_9 : vector<128x128xi32>
    %convert_element_type3A_17 = arith.extui %eq3A_16 : vector<128x128xi1> to vector<128x128xi32>
    %ge3A = arith.constant 5.000000e-01 : f32
    %ge3A_18 = vector.broadcast %ge3A : f32 to vector<128x1xf32>
    %ge3A_19 = arith.cmpf oge, %get3A_3, %ge3A_18 : vector<128x1xf32>
    %convert_element_type3A_20 = arith.extui %ge3A_19 : vector<128x1xi1> to vector<128x1xi32>
    %mul3A = vector.broadcast %convert_element_type3A_20 : vector<128x1xi32> to vector<128x128xi32>
    %mul3A_21 = arith.muli %convert_element_type3A_17, %mul3A : vector<128x128xi32>
    %reduce_sum3A_22 = arith.constant dense<0> : vector<128xi32>
    %reduce_sum3A_23 = vector.multi_reduction <add>, %mul3A_21, %reduce_sum3A_22 [0] : vector<128x128xi32> to vector<128xi32>
    %broadcast_in_dim3A_24 = vector.shape_cast %reduce_sum3A_23 : vector<128xi32> to vector<1x128xi32>
    %swap3A = arith.constant 0 : index
    %swap3A_25 = arith.constant 0 : index
    %swap3A_26 = arith.constant 0 : index
    %swap3A_27 = vector.load %arg4[%swap3A, %swap3A_25, %swap3A_26] : memref<1x1x128xi32, #tpu.memory_space<vmem>>, vector<1x1x128xi32>
    %swap3A_28 = vector.shape_cast %swap3A_27 : vector<1x1x128xi32> to vector<1x128xi32>
    %swap3A_29 = vector.shape_cast %broadcast_in_dim3A_24 : vector<1x128xi32> to vector<1x1x128xi32>
    tpu.vector_store %arg4[%swap3A, %swap3A_25, %swap3A_26], %swap3A_29 {strides = array<i32>} : memref<1x1x128xi32, #tpu.memory_space<vmem>>, vector<1x1x128xi32>,
    %get3A_30 = arith.constant 0 : index
    %get3A_31 = arith.constant 0 : index
    %get3A_32 = arith.constant 0 : index
    %get3A_33 = vector.load %arg3[%get3A_30, %get3A_31, %get3A_32] : memref<1x128x1xi32, #tpu.memory_space<vmem>>, vector<1x128x1xi32>
    %get3A_34 = vector.shape_cast %get3A_33 : vector<1x128x1xi32> to vector<128x1xi32>
    %mul3A_35 = vector.broadcast %get3A_34 : vector<128x1xi32> to vector<128x128xi32>
    %mul3A_36 = arith.muli %convert_element_type3A_17, %mul3A_35 : vector<128x128xi32>
    %reduce_sum3A_37 = arith.constant dense<0> : vector<128xi32>
    %reduce_sum3A_38 = vector.multi_reduction <add>, %mul3A_36, %reduce_sum3A_37 [0] : vector<128x128xi32> to vector<128xi32>
    %broadcast_in_dim3A_39 = vector.shape_cast %reduce_sum3A_38 : vector<128xi32> to vector<1x128xi32>
    %swap3A_40 = arith.constant 0 : index
    %swap3A_41 = arith.constant 0 : index
    %swap3A_42 = arith.constant 0 : index
    %swap3A_43 = vector.load %arg5[%swap3A_40, %swap3A_41, %swap3A_42] : memref<1x1x128xi32, #tpu.memory_space<vmem>>, vector<1x1x128xi32>
    %swap3A_44 = vector.shape_cast %swap3A_43 : vector<1x1x128xi32> to vector<1x128xi32>
    %swap3A_45 = vector.shape_cast %broadcast_in_dim3A_39 : vector<1x128xi32> to vector<1x1x128xi32>
    tpu.vector_store %arg5[%swap3A_40, %swap3A_41, %swap3A_42], %swap3A_45 {strides = array<i32>} : memref<1x1x128xi32, #tpu.memory_space<vmem>>, vector<1x1x128xi32>,
    %reduce_sum3A_46 = vector.shape_cast %convert_element_type3A_20 : vector<128x1xi32> to vector<1x128x1xi32>
    %reduce_sum3A_47 = arith.constant dense<0> : vector<1xi32>
    %reduce_sum3A_48 = vector.multi_reduction <add>, %reduce_sum3A_46, %reduce_sum3A_47 [1, 2] : vector<1x128x1xi32> to vector<1xi32>
    %reduce_sum3A_49 = vector.shape_cast %reduce_sum3A_48 : vector<1xi32> to vector<1x1x1xi32>
    %reduce_sum3A_50 = vector.extract %reduce_sum3A_49[0, 0, 0] : i32 from vector<1x1x1xi32>
    %sub3A = arith.constant 1 : i32
    %sub3A_51 = arith.subi %reduce_sum3A_50, %sub3A : i32
    %min3A = vector.broadcast %sub3A_51 : i32 to vector<128x128xi32>
    %min3A_52 = arith.minsi %iota3A_9, %min3A : vector<128x128xi32>
    %eq3A_53 = vector.broadcast %broadcast_in_dim3A : vector<128x1xi32> to vector<128x128xi32>
    %eq3A_54 = arith.cmpi eq, %eq3A_53, %min3A_52 : vector<128x128xi32>
    %convert_element_type3A_55 = arith.extui %eq3A_54 : vector<128x128xi1> to vector<128x128xi32>
    %mul3A_56 = arith.muli %convert_element_type3A_55, %iota3A : vector<128x128xi32>
    %reduce_sum3A_57 = arith.constant dense<0> : vector<128xi32>
    %reduce_sum3A_58 = vector.multi_reduction <add>, %mul3A_56, %reduce_sum3A_57 [0] : vector<128x128xi32> to vector<128xi32>
    %broadcast_in_dim3A_59 = vector.shape_cast %reduce_sum3A_58 : vector<128xi32> to vector<1x128xi32>
    %swap3A_60 = arith.constant 0 : index
    %swap3A_61 = arith.constant 0 : index
    %swap3A_62 = arith.constant 0 : index
    %swap3A_63 = vector.load %arg6[%swap3A_60, %swap3A_61, %swap3A_62] : memref<1x1x128xi32, #tpu.memory_space<vmem>>, vector<1x1x128xi32>
    %swap3A_64 = vector.shape_cast %swap3A_63 : vector<1x1x128xi32> to vector<1x128xi32>
    %swap3A_65 = vector.shape_cast %broadcast_in_dim3A_59 : vector<1x128xi32> to vector<1x1x128xi32>
    tpu.vector_store %arg6[%swap3A_60, %swap3A_61, %swap3A_62], %swap3A_65 {strides = array<i32>} : memref<1x1x128xi32, #tpu.memory_space<vmem>>, vector<1x1x128xi32>,
    return
  }
  func.func @transform_0(%arg0: i32) -> (i32, i32, i32) {
    %c0_i32 = arith.constant 0 : i32
    %c0_i32_0 = arith.constant 0 : i32
    %c0_i32_1 = arith.constant 0 : i32
    return %arg0, %c0_i32, %c0_i32_0 : i32, i32, i32
  }
  func.func @transform_1(%arg0: i32) -> (i32, i32, i32) {
    %c0_i32 = arith.constant 0 : i32
    %c0_i32_0 = arith.constant 0 : i32
    %c0_i32_1 = arith.constant 0 : i32
    return %arg0, %c0_i32, %c0_i32_0 : i32, i32, i32
  }
  func.func @transform_2(%arg0: i32) -> (i32, i32, i32) {
    %c0_i32 = arith.constant 0 : i32
    %c0_i32_0 = arith.constant 0 : i32
    %c0_i32_1 = arith.constant 0 : i32
    return %arg0, %c0_i32, %c0_i32_0 : i32, i32, i32
  }
  func.func @transform_3(%arg0: i32) -> (i32, i32, i32) {
    %c0_i32 = arith.constant 0 : i32
    %c0_i32_0 = arith.constant 0 : i32
    %c0_i32_1 = arith.constant 0 : i32
    return %arg0, %c0_i32, %c0_i32_0 : i32, i32, i32
  }
  func.func @transform_4(%arg0: i32) -> (i32, i32, i32) {
    %c0_i32 = arith.constant 0 : i32
    %c0_i32_0 = arith.constant 0 : i32
    %c0_i32_1 = arith.constant 0 : i32
    return %arg0, %c0_i32, %c0_i32_0 : i32, i32, i32
  }
  func.func @transform_5(%arg0: i32) -> (i32, i32, i32) {
    %c0_i32 = arith.constant 0 : i32
    %c0_i32_0 = arith.constant 0 : i32
    %c0_i32_1 = arith.constant 0 : i32
    return %arg0, %c0_i32, %c0_i32_0 : i32, i32, i32
  }
}

</mosaic_0001>

<sc_bundles>
// kernel: _run.5.cloned.1.call-start
scs
__scs_entry_jumppad:
0x0: {  	(pc) =	sbr.rel $0x88, $3  }
0x1: {  	(tag) =	ssettag $0x0;
	lr =	simm.s32 $0x1  }
0x2: {  	[smem:$0x3F9D] =	sst lr;
	_ =	strace $0xD0000000  }
0x3: {  	_ = 	snop  }
0x4: {  	_ = 	snop  }
0x5: {  	_ = 	snop  }
0x6: {  	_ = 	snop  }
0x7: {  	_ = 	snop  }
__scs_overlays_trampoline_lowered:
0x8: {  	[smem:$0x3FAC] =	sst s0  }
0x9: {  	[smem:$0x3FAD] =	sst s1  }
0xa: {  	[smem:$0x3FAE] =	sst s2  }
0xb: {  	[smem:$0x3FAF] =	sst s3  }
0xc: {  	[smem:$0x3FB0] =	sst s4  }
0xd: {  	[smem:$0x3FB1] =	sst s5  }
0xe: {  	[smem:$0x3FB2] =	sst s6  }
0xf: {  	[smem:$0x3FB3] =	sst s7  }
0x10: {  	[smem:$0x3FB4] =	sst s8  }
0x11: {  	[smem:$0x3FB5] =	sst s9;
	s0 =	simm.s32 @!p0 $0x0  }
0x12: {  	s1 =	sld [smem:$0x3F9B];
	s0 =	simm.s32 @p0 $0x1  }
0x13: {  	[smem:$0x3FB6] =	sst s0;
	s0 =	simm.s32 @!p1 $0x0  }
0x14: {  	s2 =	sld [smem:$0x3F9A];
	s0 =	simm.s32 @p1 $0x1  }
0x15: {  	[smem:$0x3FB7] =	sst s0;
	s0 =	simm.s32 @!p2 $0x0  }
0x16: {  	s3 =	sld [smem:$0x3FDB];
	s0 =	simm.s32 @p2 $0x1  }
0x17: {  	s4 =	simm.s32 $0x1BF5;
	[smem:$0x3FB9] =	sst s0  }
0x18: {  	s0 =	sld [smem:$0x3F9C];
	_ =	swait.ge [sflag:s4], $0x0  }
0x19: {  	s7 =	sld [smem:$0x3F9D]  }
0x1a: {  	s8 =	sadd.s32 $0xFFFFE003, lr  }
0x1b: {  	s9 =	sadd.s32 $0xFFFFFEF7, lr;
	s5 =	simm.s32 $0xFFFFFFFF;
	p2 =	slt.u32 s8, $0xFFFFF086  }
0x1c: {  	p1 =	slt.u32 s9, $0xF7A;
	s5 =	simm.s32 @!p2 $0x0  }
0x1d: {  	s5 =	simm.s32 @p1 $0x1;
	p0 =	seq.s32 s7, s2  }
0x1e: {  	s7 =	smul.u32 @!p0 $0xF7A, s2;
	p2 =	seq.s32 @!p0 s5, $0x0  }
0x1f: {  	s9 =	smul.u32 $0xF7A, s1;
	s8 =	simm.s32 @!p0 $0x1BF5;
	p2 =	por !p2, p0  }
0x20: {  	[sflag:s8] =	ssyncset.s32 @!p0 $0xFFFFF086;
	s6 =	sadd.s32 @!p0 s3, s7;
	s7 =	simm.s32 @!p0 $0x108  }
0x21: {  	s3 =	sadd.s32 s3, s9;
	s6 =	sadd.s32 @!p0 $0x88, s6;
	s7 =	simm.s32 @p2 $0x1082  }
0x22: {  	[simem:s7], [sflag:s8] =	dma.local @!p0 [hbm:s6], $0xF7A  }
0x23: {  	s9 =	sor.u32 $0xD0000000, s2;
	s6 =	simm.s32 $0x108;
	_ =	swait.ge @!p0 [sflag:s8], $0x0  }
0x24: {  	s3 =	sadd.s32 $0x88, s3;
	s6 =	simm.s32 @!p1 $0x1082;
	[sflag:s4] =	ssyncset.s32 $0xFFFFF086  }
0x25: {  	[simem:s6], [sflag:s4] =	dma.local [hbm:s3], $0xF7A  }
0x26: {  	[smem:$0x3F9D] =	sst s1;
	(tag) =	ssettag s2;
	_ =	strace s9  }
0x27: {  	s1 =	sld [smem:$0x3FAD]  }
0x28: {  	s2 =	sld [smem:$0x3FAE]  }
0x29: {  	s4 =	sld [smem:$0x3FB0]  }
0x2a: {  	p0 =	seq.s32 s5, $0x0;
	s5 =	sld [smem:$0x3FB1]  }
0x2b: {  	s6 =	sld [smem:$0x3FB2]  }
0x2c: {  	s7 =	sld [smem:$0x3FB3]  }
0x2d: {  	s3 =	simm.s32 $0x108;
	s8 =	sld [smem:$0x3FB4]  }
0x2e: {  	s3 =	simm.s32 @!p0 $0x1082;
	s9 =	sld [smem:$0x3FB5]  }
0x2f: {  	lr =	sadd.s32 s0, s3;
	s0 =	sld [smem:$0x3FAC]  }
0x30: {  	s3 =	sld [smem:$0x3FAF]  }
0x31: {  	[smem:$0x3FB8] =	sst s10  }
0x32: {  	s10 =	sld [smem:$0x3FB6];
	_ =	sdelay $0x3  }
0x33: {  	p0 =	seq.s32 s10, $0x1;
	s10 =	sld [smem:$0x3FB8];
	_ =	sdelay $0x3  }
0x34: {  	[smem:$0x3FB8] =	sst s10  }
0x35: {  	s10 =	sld [smem:$0x3FB7];
	_ =	sdelay $0x3  }
0x36: {  	p1 =	seq.s32 s10, $0x1;
	s10 =	sld [smem:$0x3FB8];
	_ =	sdelay $0x3  }
0x37: {  	[smem:$0x3FB8] =	sst s10  }
0x38: {  	s10 =	sld [smem:$0x3FB9]  }
0x39: {  	_ = 	snop;
	(pc) =	sbr.ind lr, $3  }
0x3a: {  	_ = 	snop  }
0x3b: {  	_ = 	snop  }
0x3c: {  	p2 =	seq.s32 s10, $0x1;
	s10 =	sld [smem:$0x3FB8]  }
0x3d: {  	_ =	shalt  }
0x3e: {  	_ =	shalt  }
0x3f: {  	_ =	shalt  }
0x40: {  	_ =	shalt  }
0x41: {  	_ =	shalt  }
0x42: {  	_ =	shalt  }
0x43: {  	_ =	shalt  }
0x44: {  	_ =	shalt  }
0x45: {  	_ =	shalt  }
0x46: {  	_ =	shalt  }
0x47: {  	_ =	shalt  }
0x48: {  	_ =	shalt  }
0x49: {  	_ =	shalt  }
0x4a: {  	_ =	shalt  }
0x4b: {  	_ =	shalt  }
0x4c: {  	_ =	shalt  }
0x4d: {  	_ =	shalt  }
0x4e: {  	_ =	shalt  }
0x4f: {  	_ =	shalt  }
0x50: {  	_ =	shalt  }
0x51: {  	_ =	shalt  }
0x52: {  	_ =	shalt  }
0x53: {  	_ =	shalt  }
0x54: {  	_ =	shalt  }
0x55: {  	_ =	shalt  }
0x56: {  	_ =	shalt  }
0x57: {  	_ =	shalt  }
0x58: {  	_ =	shalt  }
0x59: {  	_ =	shalt  }
0x5a: {  	_ =	shalt  }
0x5b: {  	_ =	shalt  }
0x5c: {  	_ =	shalt  }
0x5d: {  	_ =	shalt  }
0x5e: {  	_ =	shalt  }
0x5f: {  	_ =	shalt  }
0x60: {  	_ =	shalt  }
0x61: {  	_ =	shalt  }
0x62: {  	_ =	shalt  }
0x63: {  	_ =	shalt  }
0x64: {  	_ =	shalt  }
0x65: {  	_ =	shalt  }
0x66: {  	_ =	shalt  }
0x67: {  	_ =	shalt  }
0x68: {  	_ =	shalt  }
0x69: {  	_ =	shalt  }
0x6a: {  	_ =	shalt  }
0x6b: {  	_ =	shalt  }
0x6c: {  	_ =	shalt  }
0x6d: {  	_ =	shalt  }
0x6e: {  	_ =	shalt  }
0x6f: {  	_ =	shalt  }
0x70: {  	_ =	shalt  }
0x71: {  	_ =	shalt  }
0x72: {  	_ =	shalt  }
0x73: {  	_ =	shalt  }
0x74: {  	_ =	shalt  }
0x75: {  	_ =	shalt  }
0x76: {  	_ =	shalt  }
0x77: {  	_ =	shalt  }
0x78: {  	_ =	shalt  }
0x79: {  	_ =	shalt  }
0x7a: {  	_ =	shalt  }
0x7b: {  	_ =	shalt  }
0x7c: {  	_ =	shalt  }
0x7d: {  	_ =	shalt  }
0x7e: {  	_ =	shalt  }
0x7f: {  	_ =	shalt  }
0x80: {  	_ =	shalt  }
0x81: {  	_ =	shalt  }
0x82: {  	_ =	shalt  }
0x83: {  	_ =	shalt  }
0x84: {  	_ =	shalt  }
0x85: {  	_ =	shalt  }
0x86: {  	_ =	shalt  }
0x87: {  	_ =	shalt  }
.Lfunc_end0:
.L_simem_size_0:
called_computation_lowered:
.L_overlay_start_0:
0x88: {  	s2 =	sld [smem:$0x3FD9]  }
0x89: {  	s3 =	sld [smem:$0x3FFE];
	_ =	sdelay $0x1  }
0x8a: {  	s1 =	srdreg.scid  }
0x8b: {  	s0 =	sand.u32 $0x1, s1  }
0x8c: {  	s17 =	sshll.u32 s0, $0xA;
	s2 =	sadd.s32 s3, s2  }
0x8d: {  	s2 =	sadd.s32 s2, s17  }
0x8e: {  	[smem:$0x3FC4] =	sst s2  }
0x8f: {  	_ = 	snop  }
0x90: {  	s2 =	sld [smem:$0x3FD0];
	(tm) =	ssettm $0x1  }
0x91: {  	s18 =	sld [smem:$0x3FFB];
	_ =	sdelay $0x3  }
0x92: {  	_ =	strace s18  }
0x93: {  	s3 =	sld [smem:$0x3FFC];
	_ =	sdelay $0x3  }
0x94: {  	_ =	strace s3  }
0x95: {  	s3 =	sld [smem:$0x3FFD];
	_ =	sdelay $0x3  }
0x96: {  	_ =	strace s3  }
0x97: {  	_ =	strace $0x8FFFFFFF  }
0x98: {  	s19 =	sld [smem:$0x3FDB];
	_ =	sdelay $0x1  }
0x99: {  	s4 =	simm.s32 $_scs_section_size  }
0x9a: {  	s5 =	simm.s32 $_size__tile_overlayer_lowered;
	s6 =	simm.s32 $_tile_overlayer_lowered  }
0x9b: {  	s22 =	simm.s32 $0x1BFF;
	s21 =	sshll.u32 s6, $0x1;
	s3 =	sadd.s32 s4, s19  }
0x9c: {  	s7 =	simm.s32 $0x0;
	s20 =	sshll.u32 s5, $0x1;
	s5 =	sadd.s32 s21, s3  }
0x9d: {  	[timem:s7], [sflag:s22] =	dma.local [hbm:s5], s20  }
0x9e: {  	_ =	swait.ge [sflag:s22], s20  }
0x9f: {  	s4 =	ssub.s32 $0x0, s20;
	[sflag:s22] =	ssyncset.done $0x0  }
0xa0: {  	[sflag:s22] =	ssyncadd.s32 s4;
	_ =	sdelay $0x1  }
0xa1: {  	s23 =	simm.s32 $0x1B8B  }
0xa2: {  	_ =	swait.ge [sflag:s23], $0x1  }
0xa3: {  	[sflag:s23] =	ssyncset.done $0x0  }
0xa4: {  	s25 =	simm.s32 $0x1B8E;
	s24 =	sld [smem:$0x3FFE];
	[sflag:s23] =	ssyncadd.s32 $0xFFFFFFFF  }
0xa5: {  	s26 =	simm.s32 $execute0_lowered;
	[smem:$0x3FD2] =	sst s25  }
0xa6: {  	s5 =	sshll.u32 s26, $0x1;
	_ =	strace $0x80000046;
	[dreg:$0x1] =	wrdreg $0xFFFFFFFF  }
0xa7: {  	s28 =	simm.s32 $_size_execute0_lowered;
	s3 =	sadd.s32 s3, s5;
	[dreg:$0x0] =	wrdreg $0x0  }
0xa8: {  	s5 =	sshll.u32 s28, $0x1;
	[dreg:$0x2] =	wrdreg s3  }
0xa9: {  	[dreg:$0x3] =	wrdreg s5  }
0xaa: {  	[dreg:$0x4] =	wrdreg $0xC0  }
0xab: {  	_ =	task [dreg:s7], $0x5FFFF  }
0xac: {  	[dreg:$0x1] =	wrdreg $0xFFFFFFFF  }
0xad: {  	[dreg:$0x0] =	wrdreg $0x60  }
0xae: {  	[dreg:$0x2] =	wrdreg s2  }
0xaf: {  	[dreg:$0x3] =	wrdreg s24  }
0xb0: {  	[dreg:$0x4] =	wrdreg $0x142800  }
0xb1: {  	[dreg:$0x5] =	wrdreg $0x143100  }
0xb2: {  	[dreg:$0x6] =	wrdreg $0x9  }
0xb3: {  	_ =	task.clear_ibuf [dreg:s7], $0x7FFFF;
	_ =	strace $0x90000046  }
0xb4: {  	s29 =	simm.s32 $0x9;
	_ =	strace $0x80000048  }
0xb5: {  	_ =	swait.ge [sflag:s29], $0x1  }
0xb6: {  	[sflag:s29] =	ssyncadd.s32 $0xFFFFFFFF  }
0xb7: {  	_ =	strace $0x90000048  }
0xb8: {  	_ =	sfence  }
0xb9: {  	s30 =	sld [smem:$0x0];
	_ =	sdelay $0x2  }
0xba: {  	s31 =	sshll.u32 s1, $0xD;
	s1 =	sshrl.u32 s1, $0x2  }
0xbb: {  	s3 =	sand.u32 $0x4000, s31;
	s1 =	sadd.s32 s1, s30  }
0xbc: {  	s0 =	sor.u32 s3, s0;
	s1 =	sshll.u32 s1, $0x11  }
0xbd: {  	s0 =	sor.u32 s1, s0  }
0xbe: {  	s0 =	sadd.s32 $0x8F2B, s0  }
0xbf: {  	[sflag:s0] =	ssyncadd.remote.s32 $0x1  }
0xc0: {  	_ =	sfence.sel $0xFFFF  }
0xc1: {  	[dreg:$0x0] =	wrdreg $0xFFFFFFFF;
	(pc) =	sbr.abs _section_cstart, $3  }
0xc2: {  	[dreg:$0x1] =	wrdreg $0xFFFFFFFF  }
0xc3: {  	_ =	task.clear_ibuf [dreg:s7], $0x2FFFF;
	_ =	strace $0x9FFFFFFF  }
0xc4: {  	(tm) =	ssettm $0x7FFFFFFF  }
0xc5: {  	_ =	shalt  }
tec
execute0_lowered:
.L_overlay_start_1:
0x0: {  	(tag) =	ssettag $0x1  }
0x1: {  	s5 =	rddreg [dreg:$0x0]  }
0x2: {  	s6 =	rddreg [dreg:$0x1]  }
0x3: {  	s1 =	rddreg [dreg:$0x2]  }
0x4: {  	s3 =	rddreg [dreg:$0x3]  }
0x5: {  	s0 =	rddreg [dreg:$0x4];
	s7 =	srdreg.scid  }
0x6: {  	s4 =	simm.s32 $0x0;
	s2 =	stileid.u32;
	s12 =	simm.s32 $0x1  }
0x7: {  	s13 =	simm.s32 $0x4000;
	s14 =	simm.s32 $0x10000;
	s15 =	simm.s32 $0x8000  }
0x8: {  	s16 =	simm.s32 $0xC000;
	s17 =	simm.s32 $0x14100;
	s19 =	simm.s32 $0x10100  }
0x9: {  	s20 =	simm.s32 $0x0;
	s7 =	sand.u32 $0x1, s7;
	s29 =	smul.u32 $0x240, s2  }
0xa: {  	[smem:$0x7FF] =	sst s4;
	s9 =	sshll.u32 s2, $0xB;
	s18 =	smul.u32 $0x90, s2  }
0xb: {  	s31 =	sshll.u32 s2, $0x4;
	p0 =	sgt.u32 s2, $0x8;
	s8 =	sshll.u32 s7, $0xF  }
0xc: {  	_ =	strace $0x80000047;
	s7 =	ssub.s32 $0x2, s7;
	s8 =	sor.u32 s9, s8  }
0xd: {  	s28 =	sshrl.u32 s7, $0x1;
	s30 =	sshrl.u32 s29, $0x2;
	s9 =	sadd.s32 s31, s3  }
0xe: {  	v0 =	vmov s18;
	s18 =	simm.s32 $0x14200;
	s10 =	sadd.s32 s8, s6;
	s11 =	ssub.s32 s7, s28  }
0xf: {  	s5 =	sadd.s32 s5, s8;
	s7 =	sadd.s32 s30, s1;
	s8 =	sadd.s32 s31, s1  }
0x10: {  	v1 =	vimm.s32 $0x1;
	v2 =	vimm.s32 $0x0;
	s6 =	sadd.s32 $0xA00, s10;
	s10 =	sadd.s32 $0x10A00, s10;
	s11 =	smax.u32 s11, $0x1  }
.LBB2_1:
0x11: {  	[tilespmem:s4], [sflag:$0x1] =	stream.linear.gather [hbm4b:s5+s4], $0x4000, $0x38;
	[tilespmem:$0x14320] =	vst v63  }
0x12: {  	_ =	swait.ge [sflag:s12], $0x4000  }
0x13: {  	[sflag:s12] =	ssyncset.done $0x0  }
0x14: {  	[sflag:s12] =	ssyncadd.s32 $0xFFFFC000  }
0x15: {  	[tilespmem:s13], [sflag:$0x1] =	stream.linear.gather [hbm4b:s6+s4], $0x4000, $0x38;
	[tilespmem:$0x14320] =	vst v63  }
0x16: {  	_ =	swait.ge [sflag:s12], $0x4000  }
0x17: {  	[sflag:s12] =	ssyncset.done $0x0  }
0x18: {  	s21 =	simm.s32 $0x0;
	[sflag:s12] =	ssyncadd.s32 $0xFFFFC000  }
0x19: {  	v3 =	vld [tilespmem:s21+$0x4000]  }
0x1a: {  	v4 =	vld [tilespmem:s21+$0x0];
	_ =	sdelay $0x2  }
0x1b: {  	s22 =	simm.s32 $0x40;
	[tilespmem:s21+$0xC000] =	vst v1  }
.LBB2_2:
0x1c: {  	s23 =	sshra.s32 s22, $0x2;
	p1 =	sne.s32 s22, $0xFFC0  }
.Ltmp0:
0x1d: {  	s22 =	sadd.s32 $0x40, s22;
	[tilespmem:s23+$0xC000] =	vst v1;
	v5 =	vadd.s32 v3, v4;
	v3 =	vld [tilespmem:s23+$0x4000];
	(pc) =	sbr.rel @p1 .LBB2_2-.Ltmp0, $4  }
0x1e: {  	v4 =	vld [tilespmem:s23+$0x0];
	vm0 =	vlt.s32 v5, $0x8F  }
0x1f: {  	v5 =	vnsel vm0, $0x8F, v5  }
0x20: {  	v5 =	vadd.s32 v0, v5  }
0x21: {  	[tilespmem:s21+$0x8000] =	vst v5;
	s21 =	smov.u32 s23  }
0x22: {  	_ = 	snop  }
0x23: {  	v3 =	vadd.s32 v3, v4  }
0x24: {  	vm0 =	vlt.s32 v3, $0x8F  }
0x25: {  	v3 =	vnsel vm0, $0x8F, v3  }
0x26: {  	v3 =	vadd.s32 v0, v3  }
0x27: {  	[tilespmem:s21+$0x8000] =	vst v3  }
0x28: {  	[tilespmem:$0x10000] =	vst v2  }
0x29: {  	[tilespmem:$0x10010] =	vst v2  }
0x2a: {  	[tilespmem:$0x10020] =	vst v2  }
0x2b: {  	[tilespmem:$0x10030] =	vst v2  }
0x2c: {  	[tilespmem:$0x10040] =	vst v2  }
0x2d: {  	[tilespmem:$0x10050] =	vst v2  }
0x2e: {  	[tilespmem:$0x10060] =	vst v2  }
0x2f: {  	[tilespmem:$0x10070] =	vst v2  }
0x30: {  	[tilespmem:$0x10080] =	vst v2  }
0x31: {  	[spmem:s7] =	stream.linear.scatter [tilespmem:s14], [sflag:$0x1], $0x90, $0x38;
	[tilespmem:$0x14320] =	vst v63  }
0x32: {  	_ =	swait.ge [sflag:s12], $0x90  }
0x33: {  	[sflag:s12] =	ssyncset.done $0x0  }
0x34: {  	[sflag:s12] =	ssyncadd.s32 $0xFFFFFF70  }
0x35: {  	[spmem:s1] =	stream.indirect.scatter.add.s32 [tilespmem:s16], [sflag:$0x1], $0x1, s15, s13, $0xb8;
	[tilespmem:$0x14320] =	vst v63  }
.Ltmp1:
0x36: {  	_ =	swait.ge [sflag:s12], $0x4000;
	(pc) =	sbr.rel @p0 .LBB2_7-.Ltmp1, $3  }
0x37: {  	[sflag:s12] =	ssyncset.done $0x0  }
0x38: {  	[sflag:s12] =	ssyncadd.s32 $0xFFFFC000  }
0x39: {  	[bflag:$0x0] =	sbarrier.arrive $0xFFFF;
	_ =	sdelay $0x1  }
0x3a: {  	[tilespmem:$0x14180] =	vst v2;
	s21 =	sadd.s32 $0x0, s8  }
0x3b: {  	[tilespmem:s17], [sflag:$0x1] =	stream.linear.gather [spmem:s21], $0x10, $0x38;
	[tilespmem:$0x14320] =	vst v63  }
0x3c: {  	_ =	swait.ge [sflag:s12], $0x10  }
0x3d: {  	[sflag:s12] =	ssyncset.done $0x0  }
0x3e: {  	[sflag:s12] =	ssyncadd.s32 $0xFFFFFFF0  }
0x3f: {  	v3 =	vld [tilespmem:$0x14180]  }
0x40: {  	s22 =	simm.s32 $0x480;
	s21 =	simm.s32 $0x240;
	v4 =	vld [tilespmem:$0x14100]  }
.LBB2_5:
0x41: {  	_ =	sdelay $0x2  }
0x42: {  	p1 =	sne.s32 s22, $0x21C0  }
0x43: {  	s23 =	sshra.s32 s21, $0x2;
	s21 =	smov.u32 s22;
	s22 =	sadd.s32 $0x240, s22;
	v3 =	vadd.s32 v3, v4  }
0x44: {  	s23 =	sadd.s32 s23, s8;
	[tilespmem:$0x14180] =	vst v3  }
0x45: {  	[tilespmem:s17], [sflag:$0x1] =	stream.linear.gather [spmem:s23], $0x10, $0x38;
	[tilespmem:$0x14320] =	vst v63  }
.Ltmp2:
0x46: {  	_ =	swait.ge [sflag:s12], $0x10;
	(pc) =	sbr.rel @p1 .LBB2_5-.Ltmp2, $4  }
0x47: {  	[sflag:s12] =	ssyncset.done $0x0  }
0x48: {  	[sflag:s12] =	ssyncadd.s32 $0xFFFFFFF0  }
0x49: {  	v3 =	vld [tilespmem:$0x14180]  }
0x4a: {  	v4 =	vld [tilespmem:$0x14100]  }
0x4b: {  	_ =	sdelay $0x3  }
0x4c: {  	s21 =	sshra.s32 s21, $0x2;
	v3 =	vadd.s32 v3, v4  }
0x4d: {  	s21 =	sadd.s32 s21, s8;
	[tilespmem:$0x14180] =	vst v3  }
0x4e: {  	[tilespmem:s17], [sflag:$0x1] =	stream.linear.gather [spmem:s21], $0x10, $0x38;
	[tilespmem:$0x14320] =	vst v63  }
0x4f: {  	_ =	swait.ge [sflag:s12], $0x10  }
0x50: {  	[sflag:s12] =	ssyncset.done $0x0  }
0x51: {  	[sflag:s12] =	ssyncadd.s32 $0xFFFFFFF0  }
0x52: {  	v3 =	vld [tilespmem:$0x14180]  }
0x53: {  	v63 =	vld [tilespmem:$0x14100];
	_ =	sdelay $0x4  }
0x54: {  	v3 =	vadd.s32 v3, v63  }
0x55: {  	v4 =	vadd.s32 $0xFFFFF001, v3  }
0x56: {  	vm0 =	vgt.s32 v4, $0x0  }
0x57: {  	[tilespmem:$0x14180] =	vst v3;
	v3 =	vsel vm0, $0x1, v2  }
0x58: {  	[tilespmem:$0x14200] =	vst v3  }
0x59: {  	[spmem:s9] =	stream.linear.scatter [tilespmem:s18], [sflag:$0x1], $0x10, $0x38;
	[tilespmem:$0x14320] =	vst v63  }
0x5a: {  	_ =	swait.ge [sflag:s12], $0x10  }
0x5b: {  	[sflag:s12] =	ssyncset.done $0x0  }
0x5c: {  	[sflag:s12] =	ssyncadd.s32 $0xFFFFFFF0  }
.LBB2_7:
0x5d: {  	[bflag:$0x0] =	sbarrier.arrive $0xFFFF  }
0x5e: {  	[tilespmem:s19], [sflag:$0x1] =	stream.indirect.gather [spmem:s3], $0x1, s13, s13, $0xb8;
	[tilespmem:$0x14320] =	vst v63  }
0x5f: {  	_ =	swait.ge [sflag:s12], $0x4000  }
0x60: {  	[sflag:s12] =	ssyncset.done $0x0  }
0x61: {  	s21 =	simm.s32 $0x0;
	[sflag:s12] =	ssyncadd.s32 $0xFFFFC000  }
0x62: {  	s22 =	simm.s32 $0x40;
	v3 =	vld [tilespmem:s21+$0x4000]  }
.LBB2_8:
0x63: {  	p1 =	sne.s32 s22, $0xFFC0;
	v4 =	vld [tilespmem:s21+$0x0]  }
0x64: {  	v5 =	vld [tilespmem:s21+$0x10100];
	_ =	sdelay $0x3  }
0x65: {  	v3 =	vadd.s32 $0x50, v3;
	vm0 =	vlt.s32 v4, $0x1  }
0x66: {  	v6 =	vnsel vm0, $0x1, v4;
	v3 =	vmul.u32 v3, v5  }
.Ltmp3:
0x67: {  	v5 =	vsub.s32 $0x1, v6;
	(pc) =	sbr.rel @p1 .LBB2_8-.Ltmp3, $3  }
0x68: {  	v3 =	vmul.u32 v5, v3;
	_ =	sdelay $0x1  }
0x69: {  	s23 =	sshra.s32 s22, $0x2;
	v4 =	vadd.s32 v4, v3  }
0x6a: {  	s22 =	sadd.s32 $0x40, s22;
	v3 =	vld [tilespmem:s23+$0x4000];
	[tilespmem:s21+$0x0] =	vst v4;
	s21 =	smov.u32 s23  }
0x6b: {  	v4 =	vld [tilespmem:s21+$0x0]  }
0x6c: {  	v5 =	vld [tilespmem:s21+$0x10100];
	_ =	sdelay $0x3  }
0x6d: {  	v3 =	vadd.s32 $0x50, v3;
	vm0 =	vlt.s32 v4, $0x1  }
0x6e: {  	v3 =	vmul.u32 v3, v5;
	v6 =	vnsel vm0, $0x1, v4  }
0x6f: {  	v63 =	vsub.s32 $0x1, v6  }
0x70: {  	v3 =	vmul.u32 v63, v3  }
0x71: {  	s20 =	sadd.s32 $0x1, s20  }
0x72: {  	p1 =	sne.s32 s20, s11;
	v3 =	vadd.s32 v4, v3  }
.Ltmp4:
0x73: {  	[tilespmem:s21+$0x0] =	vst v3;
	(pc) =	sbr.rel @p1 .LBB2_1-.Ltmp4, $4  }
0x74: {  	[hbm4b:s10+s4] =	stream.linear.scatter [tilespmem:s4], [sflag:$0x1], $0x4000, $0x38;
	[tilespmem:$0x14320] =	vst v63  }
0x75: {  	_ =	swait.ge [sflag:s12], $0x4000  }
0x76: {  	[sflag:s12] =	ssyncset.done $0x0  }
0x77: {  	[sflag:s12] =	ssyncadd.s32 $0xFFFFC000  }
0x78: {  	_ =	sfence.sel $0x180000  }
0x79: {  	[bflag:$0x0] =	sbarrier.arrive $0xFFFF  }
0x7a: {  	p0 =	sne.s32 s2, $0x0;
	_ =	strace $0x90000047  }
0x7b: {  	s0 =	sadd.s32 @!p0 $0x100000, s0;
	[bflag:$0x2] =	sbarrier.arrive $0xFFFF  }
0x7c: {  	[sflag:s0] =	ssyncadd.tile.s32 @!p0 $0x1;
	_ =	shalt  }
.Lfunc_end2:
_tile_overlayer_lowered:
.L_overlay_start_2:
0x7d: {  	(tag) =	ssettag $0x2  }
0x7e: {  	s0 =	rddreg [dreg:$0x0];
	s2 =	stileid.u32  }
0x7f: {  	s1 =	rddreg [dreg:$0x1];
	p0 =	sne.s32 s2, $0x0  }
0x80: {  	s3 =	rddreg [dreg:$0x2];
	[bflag:$0x3] =	sbarrier.arrive $0xFFFF;
	s2 =	simm.s32 @!p0 $0x1C01  }
0x81: {  	[timem:s3], [sflag:s2] =	dma.local @!p0 [hbm:s0], s1  }
0x82: {  	s0 =	simm.s32 @!p0 $0x1  }
0x83: {  	_ =	swait.ge @!p0 [sflag:s0], s1  }
0x84: {  	s1 =	ssub.s32 @!p0 $0x0, s1;
	[sflag:s0] =	ssyncset.done @!p0 $0x0  }
0x85: {  	[sflag:s0] =	ssyncadd.s32 @!p0 s1  }
0x86: {  	[bflag:$0x3] =	sbarrier.arrive $0xFFFF  }
0x87: {  	_ =	shalt  }

</sc_bundles>
